<compile_context>
chip_gen: v7x
topology: tpu7x:2x2x1
jax: 0.10.2.dev20260603
libtpu: 0.0.44.dev20260713+nightly
codegen_flags: <defaults>
</compile_context>

<pallas_src>
import functools

import jax
import jax.numpy as jnp
from jax import lax
from jax.experimental import pallas as pl
from jax.experimental.pallas import tpu as pltpu
from jax.experimental.pallas import tpu_sc as plsc

_NC = 2
_NS = 16
_NW = _NC * _NS
_ONES_CH = 10000
_GRID = 50
_BLK = 32000


def _make_sc_ones(e):
    per_w = e // _NW
    nones = per_w // _ONES_CH
    mesh = plsc.VectorSubcoreMesh(core_axis_name="c", subcore_axis_name="s")

    @functools.partial(
        pl.kernel,
        out_type=jax.ShapeDtypeStruct((e,), jnp.int32),
        mesh=mesh,
        scratch_types=[
            pltpu.VMEM((_ONES_CH,), jnp.int32),
            pltpu.SemaphoreType.DMA,
        ],
    )
    def sc_ones(vals_hbm, ones_buf, sem):
        c = lax.axis_index("c")
        s = lax.axis_index("s")
        wid = s * _NC + c
        base = wid * per_w

        ones_vec = jnp.ones((16,), jnp.int32)

        def fill(i, carry):
            ones_buf[pl.ds(i * 16, 16)] = ones_vec
            return carry

        lax.fori_loop(0, _ONES_CH // 16, fill, 0)

        copies = [
            pltpu.make_async_copy(
                ones_buf, vals_hbm.at[pl.ds(base + j * _ONES_CH, _ONES_CH)], sem)
            for j in range(nones)
        ]
        for cp in copies:
            cp.start()
        for cp in copies:
            cp.wait()

    return sc_ones


def _max_body(x_ref, nmax_ref):
    i = pl.program_id(0)
    m = jnp.max(x_ref[...])
    prev = jnp.where(i == 0, jnp.iinfo(jnp.int32).min, nmax_ref[0, 0])
    cur = jnp.maximum(prev, m)
    nmax_ref[0, 0] = jnp.where(i == pl.num_programs(0) - 1, cur + 1, cur)


def kernel(edge_indices):
    ei2 = jnp.reshape(edge_indices, (-1, 2))
    e = ei2.shape[0]

    vals = _make_sc_ones(e)()

    nmax = pl.pallas_call(
        _max_body,
        grid=(_GRID,),
        in_specs=[pl.BlockSpec((_BLK, 2), lambda i: (i, 0))],
        out_specs=pl.BlockSpec(
            memory_space=pltpu.SMEM, block_shape=(1, 1), index_map=lambda i: (0, 0)),
        out_shape=jax.ShapeDtypeStruct((1, 1), jnp.int32),
    )(ei2)

    ei_out = ei2.astype(jnp.int64)
    vals_out = vals.astype(jnp.int64)
    n_nodes = nmax[0, 0].astype(jnp.int64)
    return (ei_out, vals_out, n_nodes)

# --- scband reference (transcript-rebuilt; emitter-appended) ---
"""Pipeline reference for scband-sparse-adjacency-matrix-6047313953276 (READ-ONLY COPY).

The authoritative reference and input builder live on the scoring server;
editing this copy changes nothing except your own understanding.
"""

import jax, jax.numpy as jnp
import numpy as np


def setup_inputs(seed: int = 0) -> dict:
    key = jax.random.key(seed)
    # GRAPH pool: n_nodes=50000, avg_degree=32 -> E=1,600,000 edges, COO [E, 2]
    edge_indices = jax.random.randint(key, (1600000, 2), 0, 50000, dtype=jnp.int32)
    return {"edge_indices": edge_indices}


def reference(edge_indices):
    # Faithful translation of SparseAdjacencyMatrix.call:
    #   edge_indices = tf.reshape(edge_indices, [-1, 2])
    #   edge_indices = tf.cast(edge_indices, tf.int64)
    #   n_nodes = tf.reduce_max(edge_indices) + 1
    #   edge_values = tf.ones_like(edge_indices[:, 0])
    #   return tf.sparse.SparseTensor(indices, values, dense_shape=(n_nodes, n_nodes))
    # JAX has no SparseTensor container; we return its constituent parts
    # (indices, values, n_nodes) exactly as TF would store them. No dense
    # materialization occurs in the TF original either -- SparseTensor is a
    # lazy COO container.
    ei = jnp.reshape(edge_indices, (-1, 2))
    ei = ei.astype(jnp.int64)
    n_nodes = jnp.max(ei) + 1  # dynamic dense_shape bound, data-dependent
    edge_values = jnp.ones_like(ei[:, 0])  # int64 ones, matching tf.ones_like
    return (ei, edge_values, n_nodes)

if __name__ == "__main__":
    import jax
    _d = setup_inputs()
    print(jax.jit(kernel)(*tuple(_d.values())))

</pallas_src>

<mosaic_0001>
#map = affine_map<(d0, d1) -> (0)>
module attributes {stable_mosaic.version = 14 : i64} {
  func.func @sc_ones(%arg0: i32, %arg1: i32, %arg2: memref<1600000xi32, #tpu.memory_space<hbm>>, %arg3: memref<10000xi32, #tpu.memory_space<vmem>>, %arg4: memref<!tpu.dma_semaphore, #tpu.memory_space<semaphore_mem>>) attributes {dimension_semantics = [#tpu.dimension_semantics<core_parallel>, #tpu.dimension_semantics<subcore_parallel>], iteration_bounds = array<i64: 2, 16>, scalar_prefetch = 0 : i64, scratch_operands = 2 : i64, tpu.core_type = #tpu.core_type<sc_vector_subcore>, window_params = [{transform_indices = #map}]} {
    %mul3A = arith.constant 2 : i32
    %mul3A_0 = arith.muli %arg1, %mul3A : i32
    %add3A = arith.addi %mul3A_0, %arg0 : i32
    %mul3A_1 = arith.constant 50000 : i32
    %mul3A_2 = arith.muli %add3A, %mul3A_1 : i32
    %broadcast_in_dim3A = arith.constant 1 : i32
    %broadcast_in_dim3A_3 = vector.broadcast %broadcast_in_dim3A : i32 to vector<16xi32>
    %scan3A = arith.constant 0 : i32
    %scan3A_4 = arith.constant 0 : i32
    %scan3A_5 = arith.constant 625 : i32
    %scan3A_6 = arith.addi %scan3A_4, %scan3A_5 : i32
    %scan3A_7 = arith.constant 1 : i32
    scf.for %scan3A_37 = %scan3A_4 to %scan3A_6 step %scan3A_7  : i32 {
      %mul3A_38 = arith.constant 16 : i32
      %mul3A_39 = arith.muli %scan3A_37, %mul3A_38 : i32
      %swap3A = arith.index_cast %mul3A_39 : i32 to index
      %swap3A_40 = tpu.vector_load %arg3[%swap3A] {strides = array<i32>} : memref<10000xi32, #tpu.memory_space<vmem>>, vector<16xi32>,
      %swap3A_41 = vector.shape_cast %swap3A_40 : vector<16xi32> to vector<16xi32>
      %swap3A_42 = vector.shape_cast %broadcast_in_dim3A_3 : vector<16xi32> to vector<16xi32>
      tpu.vector_store %arg3[%swap3A], %swap3A_42 {strides = array<i32>} : memref<10000xi32, #tpu.memory_space<vmem>>, vector<16xi32>,
    }
    %scan3A_8 = arith.constant 625 : i32
    %add3A_9 = arith.constant 0 : i32
    %add3A_10 = arith.addi %mul3A_2, %add3A_9 : i32
    %add3A_11 = arith.constant 10000 : i32
    %add3A_12 = arith.addi %mul3A_2, %add3A_11 : i32
    %add3A_13 = arith.constant 20000 : i32
    %add3A_14 = arith.addi %mul3A_2, %add3A_13 : i32
    %add3A_15 = arith.constant 30000 : i32
    %add3A_16 = arith.addi %mul3A_2, %add3A_15 : i32
    %add3A_17 = arith.constant 40000 : i32
    %add3A_18 = arith.addi %mul3A_2, %add3A_17 : i32
    %dma_start3A = tpu.memref_slice %arg2[%add3A_10] : memref<1600000xi32, #tpu.memory_space<hbm>> -> memref<10000xi32, #tpu.memory_space<hbm>>
    %dma_start3A_19 = tpu.memref_slice %arg2[%add3A_10] : memref<1600000xi32, #tpu.memory_space<hbm>> -> memref<10000xi32, #tpu.memory_space<hbm>>
    tpu.enqueue_dma source(%arg3 : memref<10000xi32, #tpu.memory_space<vmem>>) target(%dma_start3A_19 : memref<10000xi32, #tpu.memory_space<hbm>>) target_semaphore(%arg4 : memref<!tpu.dma_semaphore, #tpu.memory_space<semaphore_mem>>)
    %dma_start3A_20 = tpu.memref_slice %arg2[%add3A_12] : memref<1600000xi32, #tpu.memory_space<hbm>> -> memref<10000xi32, #tpu.memory_space<hbm>>
    %dma_start3A_21 = tpu.memref_slice %arg2[%add3A_12] : memref<1600000xi32, #tpu.memory_space<hbm>> -> memref<10000xi32, #tpu.memory_space<hbm>>
    tpu.enqueue_dma source(%arg3 : memref<10000xi32, #tpu.memory_space<vmem>>) target(%dma_start3A_21 : memref<10000xi32, #tpu.memory_space<hbm>>) target_semaphore(%arg4 : memref<!tpu.dma_semaphore, #tpu.memory_space<semaphore_mem>>)
    %dma_start3A_22 = tpu.memref_slice %arg2[%add3A_14] : memref<1600000xi32, #tpu.memory_space<hbm>> -> memref<10000xi32, #tpu.memory_space<hbm>>
    %dma_start3A_23 = tpu.memref_slice %arg2[%add3A_14] : memref<1600000xi32, #tpu.memory_space<hbm>> -> memref<10000xi32, #tpu.memory_space<hbm>>
    tpu.enqueue_dma source(%arg3 : memref<10000xi32, #tpu.memory_space<vmem>>) target(%dma_start3A_23 : memref<10000xi32, #tpu.memory_space<hbm>>) target_semaphore(%arg4 : memref<!tpu.dma_semaphore, #tpu.memory_space<semaphore_mem>>)
    %dma_start3A_24 = tpu.memref_slice %arg2[%add3A_16] : memref<1600000xi32, #tpu.memory_space<hbm>> -> memref<10000xi32, #tpu.memory_space<hbm>>
    %dma_start3A_25 = tpu.memref_slice %arg2[%add3A_16] : memref<1600000xi32, #tpu.memory_space<hbm>> -> memref<10000xi32, #tpu.memory_space<hbm>>
    tpu.enqueue_dma source(%arg3 : memref<10000xi32, #tpu.memory_space<vmem>>) target(%dma_start3A_25 : memref<10000xi32, #tpu.memory_space<hbm>>) target_semaphore(%arg4 : memref<!tpu.dma_semaphore, #tpu.memory_space<semaphore_mem>>)
    %dma_start3A_26 = tpu.memref_slice %arg2[%add3A_18] : memref<1600000xi32, #tpu.memory_space<hbm>> -> memref<10000xi32, #tpu.memory_space<hbm>>
    %dma_start3A_27 = tpu.memref_slice %arg2[%add3A_18] : memref<1600000xi32, #tpu.memory_space<hbm>> -> memref<10000xi32, #tpu.memory_space<hbm>>
    tpu.enqueue_dma source(%arg3 : memref<10000xi32, #tpu.memory_space<vmem>>) target(%dma_start3A_27 : memref<10000xi32, #tpu.memory_space<hbm>>) target_semaphore(%arg4 : memref<!tpu.dma_semaphore, #tpu.memory_space<semaphore_mem>>)
    %dma_wait3A = tpu.memref_slice %arg2[%add3A_10] : memref<1600000xi32, #tpu.memory_space<hbm>> -> memref<10000xi32, #tpu.memory_space<hbm>>
    %dma_wait3A_28 = tpu.memref_slice %arg2[%add3A_10] : memref<1600000xi32, #tpu.memory_space<hbm>> -> memref<10000xi32, #tpu.memory_space<hbm>>
    tpu.wait_dma2 semaphore(%arg4 : memref<!tpu.dma_semaphore, #tpu.memory_space<semaphore_mem>>) src(%arg3 : memref<10000xi32, #tpu.memory_space<vmem>>) dst(%dma_wait3A_28 : memref<10000xi32, #tpu.memory_space<hbm>>)
    %dma_wait3A_29 = tpu.memref_slice %arg2[%add3A_12] : memref<1600000xi32, #tpu.memory_space<hbm>> -> memref<10000xi32, #tpu.memory_space<hbm>>
    %dma_wait3A_30 = tpu.memref_slice %arg2[%add3A_12] : memref<1600000xi32, #tpu.memory_space<hbm>> -> memref<10000xi32, #tpu.memory_space<hbm>>
    tpu.wait_dma2 semaphore(%arg4 : memref<!tpu.dma_semaphore, #tpu.memory_space<semaphore_mem>>) src(%arg3 : memref<10000xi32, #tpu.memory_space<vmem>>) dst(%dma_wait3A_30 : memref<10000xi32, #tpu.memory_space<hbm>>)
    %dma_wait3A_31 = tpu.memref_slice %arg2[%add3A_14] : memref<1600000xi32, #tpu.memory_space<hbm>> -> memref<10000xi32, #tpu.memory_space<hbm>>
    %dma_wait3A_32 = tpu.memref_slice %arg2[%add3A_14] : memref<1600000xi32, #tpu.memory_space<hbm>> -> memref<10000xi32, #tpu.memory_space<hbm>>
    tpu.wait_dma2 semaphore(%arg4 : memref<!tpu.dma_semaphore, #tpu.memory_space<semaphore_mem>>) src(%arg3 : memref<10000xi32, #tpu.memory_space<vmem>>) dst(%dma_wait3A_32 : memref<10000xi32, #tpu.memory_space<hbm>>)
    %dma_wait3A_33 = tpu.memref_slice %arg2[%add3A_16] : memref<1600000xi32, #tpu.memory_space<hbm>> -> memref<10000xi32, #tpu.memory_space<hbm>>
    %dma_wait3A_34 = tpu.memref_slice %arg2[%add3A_16] : memref<1600000xi32, #tpu.memory_space<hbm>> -> memref<10000xi32, #tpu.memory_space<hbm>>
    tpu.wait_dma2 semaphore(%arg4 : memref<!tpu.dma_semaphore, #tpu.memory_space<semaphore_mem>>) src(%arg3 : memref<10000xi32, #tpu.memory_space<vmem>>) dst(%dma_wait3A_34 : memref<10000xi32, #tpu.memory_space<hbm>>)
    %dma_wait3A_35 = tpu.memref_slice %arg2[%add3A_18] : memref<1600000xi32, #tpu.memory_space<hbm>> -> memref<10000xi32, #tpu.memory_space<hbm>>
    %dma_wait3A_36 = tpu.memref_slice %arg2[%add3A_18] : memref<1600000xi32, #tpu.memory_space<hbm>> -> memref<10000xi32, #tpu.memory_space<hbm>>
    tpu.wait_dma2 semaphore(%arg4 : memref<!tpu.dma_semaphore, #tpu.memory_space<semaphore_mem>>) src(%arg3 : memref<10000xi32, #tpu.memory_space<vmem>>) dst(%dma_wait3A_36 : memref<10000xi32, #tpu.memory_space<hbm>>)
    return
  }
}

module attributes {stable_mosaic.version = 14 : i64} {
  func.func @_max_body(%arg0: i32, %arg1: memref<32000x2xi32, #tpu.memory_space<vmem>>, %arg2: memref<1x1xi32, #tpu.memory_space<smem>>) attributes {dimension_semantics = [#tpu.dimension_semantics<arbitrary>], iteration_bounds = array<i64: 50>, scalar_prefetch = 0 : i64, scratch_operands = 0 : i64, tpu.core_type = #tpu.core_type<tc>, window_params = [{transform_indices = @transform_0, window_bounds = array<i64: 32000, 2>}, {transform_indices = @transform_1, window_bounds = array<i64: 1, 1>}]} {
    %get3A = arith.constant 0 : index
    %get3A_0 = arith.constant 0 : index
    %get3A_1 = vector.load %arg1[%get3A, %get3A_0] : memref<32000x2xi32, #tpu.memory_space<vmem>>, vector<32000x2xi32>
    %reduce_max3A = vector.shape_cast %get3A_1 : vector<32000x2xi32> to vector<1x32000x2xi32>
    %reduce_max3A_2 = arith.constant dense<-2147483648> : vector<1xi32>
    %reduce_max3A_3 = vector.multi_reduction <maxsi>, %reduce_max3A, %reduce_max3A_2 [1, 2] : vector<1x32000x2xi32> to vector<1xi32>
    %reduce_max3A_4 = vector.shape_cast %reduce_max3A_3 : vector<1xi32> to vector<1x1x1xi32>
    %reduce_max3A_5 = vector.extract %reduce_max3A_4[0, 0, 0] : i32 from vector<1x1x1xi32>
    %eq3A = arith.constant 0 : i32
    %eq3A_6 = arith.cmpi eq, %arg0, %eq3A : i32
    %get3A_7 = arith.constant 0 : index
    %get3A_8 = arith.constant 0 : index
    %get3A_9 = memref.load %arg2[%get3A_7, %get3A_8] : memref<1x1xi32, #tpu.memory_space<smem>>
    %jit3A = arith.constant -2147483648 : i32
    %select_n3A = arith.select %eq3A_6, %jit3A, %get3A_9 : i32
    %max3A = arith.maxsi %select_n3A, %reduce_max3A_5 : i32
    %eq3A_10 = arith.constant 49 : i32
    %eq3A_11 = arith.cmpi eq, %arg0, %eq3A_10 : i32
    %add3A = arith.constant 1 : i32
    %add3A_12 = arith.addi %max3A, %add3A : i32
    %select_n3A_13 = arith.select %eq3A_11, %add3A_12, %max3A : i32
    %swap3A = arith.constant 0 : index
    %swap3A_14 = arith.constant 0 : index
    %swap3A_15 = memref.load %arg2[%swap3A, %swap3A_14] : memref<1x1xi32, #tpu.memory_space<smem>>
    memref.store %select_n3A_13, %arg2[%swap3A, %swap3A_14] : memref<1x1xi32, #tpu.memory_space<smem>>
    return
  }
  func.func @transform_0(%arg0: i32) -> (i32, i32) {
    %c0_i32 = arith.constant 0 : i32
    %c0_i32_0 = arith.constant 0 : i32
    return %arg0, %c0_i32 : i32, i32
  }
  func.func @transform_1(%arg0: i32) -> (i32, i32) {
    %c0_i32 = arith.constant 0 : i32
    %c0_i32_0 = arith.constant 0 : i32
    %c0_i32_1 = arith.constant 0 : i32
    return %c0_i32, %c0_i32_0 : i32, i32
  }
}

</mosaic_0001>

<sc_bundles>
// kernel: kernel.4.cloned.1.call-start
scs
__scs_entry_jumppad:
0x0: {  	(pc) =	sbr.rel $0x88, $3  }
0x1: {  	(tag) =	ssettag $0x0;
	lr =	simm.s32 $0x1  }
0x2: {  	[smem:$0x3FA0] =	sst lr;
	_ =	strace $0xD0000000  }
0x3: {  	_ = 	snop  }
0x4: {  	_ = 	snop  }
0x5: {  	_ = 	snop  }
0x6: {  	_ = 	snop  }
0x7: {  	_ = 	snop  }
__scs_overlays_trampoline_lowered:
0x8: {  	[smem:$0x3FAF] =	sst s0  }
0x9: {  	[smem:$0x3FB0] =	sst s1  }
0xa: {  	[smem:$0x3FB1] =	sst s2  }
0xb: {  	[smem:$0x3FB2] =	sst s3  }
0xc: {  	[smem:$0x3FB3] =	sst s4  }
0xd: {  	[smem:$0x3FB4] =	sst s5  }
0xe: {  	[smem:$0x3FB5] =	sst s6  }
0xf: {  	[smem:$0x3FB6] =	sst s7  }
0x10: {  	[smem:$0x3FB7] =	sst s8  }
0x11: {  	[smem:$0x3FB8] =	sst s9;
	s0 =	simm.s32 @!p0 $0x0  }
0x12: {  	s1 =	sld [smem:$0x3F9E];
	s0 =	simm.s32 @p0 $0x1  }
0x13: {  	[smem:$0x3FB9] =	sst s0;
	s0 =	simm.s32 @!p1 $0x0  }
0x14: {  	s2 =	sld [smem:$0x3F9D];
	s0 =	simm.s32 @p1 $0x1  }
0x15: {  	[smem:$0x3FBA] =	sst s0;
	s0 =	simm.s32 @!p2 $0x0  }
0x16: {  	s3 =	sld [smem:$0x3FDB];
	s0 =	simm.s32 @p2 $0x1  }
0x17: {  	s4 =	simm.s32 $0x1BF5;
	[smem:$0x3FBC] =	sst s0  }
0x18: {  	s0 =	sld [smem:$0x3F9F];
	_ =	swait.ge [sflag:s4], $0x0  }
0x19: {  	s7 =	sld [smem:$0x3FA0]  }
0x1a: {  	s8 =	sadd.s32 $0xFFFFE003, lr  }
0x1b: {  	s9 =	sadd.s32 $0xFFFFFEF7, lr;
	s5 =	simm.s32 $0xFFFFFFFF;
	p2 =	slt.u32 s8, $0xFFFFF086  }
0x1c: {  	p1 =	slt.u32 s9, $0xF7A;
	s5 =	simm.s32 @!p2 $0x0  }
0x1d: {  	s5 =	simm.s32 @p1 $0x1;
	p0 =	seq.s32 s7, s2  }
0x1e: {  	s7 =	smul.u32 @!p0 $0xF7A, s2;
	p2 =	seq.s32 @!p0 s5, $0x0  }
0x1f: {  	s9 =	smul.u32 $0xF7A, s1;
	s8 =	simm.s32 @!p0 $0x1BF5;
	p2 =	por !p2, p0  }
0x20: {  	[sflag:s8] =	ssyncset.s32 @!p0 $0xFFFFF086;
	s6 =	sadd.s32 @!p0 s3, s7;
	s7 =	simm.s32 @!p0 $0x108  }
0x21: {  	s3 =	sadd.s32 s3, s9;
	s6 =	sadd.s32 @!p0 $0x88, s6;
	s7 =	simm.s32 @p2 $0x1082  }
0x22: {  	[simem:s7], [sflag:s8] =	dma.local @!p0 [hbm:s6], $0xF7A  }
0x23: {  	s9 =	sor.u32 $0xD0000000, s2;
	s6 =	simm.s32 $0x108;
	_ =	swait.ge @!p0 [sflag:s8], $0x0  }
0x24: {  	s3 =	sadd.s32 $0x88, s3;
	s6 =	simm.s32 @!p1 $0x1082;
	[sflag:s4] =	ssyncset.s32 $0xFFFFF086  }
0x25: {  	[simem:s6], [sflag:s4] =	dma.local [hbm:s3], $0xF7A  }
0x26: {  	[smem:$0x3FA0] =	sst s1;
	(tag) =	ssettag s2;
	_ =	strace s9  }
0x27: {  	s1 =	sld [smem:$0x3FB0]  }
0x28: {  	s2 =	sld [smem:$0x3FB1]  }
0x29: {  	s4 =	sld [smem:$0x3FB3]  }
0x2a: {  	p0 =	seq.s32 s5, $0x0;
	s5 =	sld [smem:$0x3FB4]  }
0x2b: {  	s6 =	sld [smem:$0x3FB5]  }
0x2c: {  	s7 =	sld [smem:$0x3FB6]  }
0x2d: {  	s3 =	simm.s32 $0x108;
	s8 =	sld [smem:$0x3FB7]  }
0x2e: {  	s3 =	simm.s32 @!p0 $0x1082;
	s9 =	sld [smem:$0x3FB8]  }
0x2f: {  	lr =	sadd.s32 s0, s3;
	s0 =	sld [smem:$0x3FAF]  }
0x30: {  	s3 =	sld [smem:$0x3FB2]  }
0x31: {  	[smem:$0x3FBB] =	sst s10  }
0x32: {  	s10 =	sld [smem:$0x3FB9];
	_ =	sdelay $0x3  }
0x33: {  	p0 =	seq.s32 s10, $0x1;
	s10 =	sld [smem:$0x3FBB];
	_ =	sdelay $0x3  }
0x34: {  	[smem:$0x3FBB] =	sst s10  }
0x35: {  	s10 =	sld [smem:$0x3FBA];
	_ =	sdelay $0x3  }
0x36: {  	p1 =	seq.s32 s10, $0x1;
	s10 =	sld [smem:$0x3FBB];
	_ =	sdelay $0x3  }
0x37: {  	[smem:$0x3FBB] =	sst s10  }
0x38: {  	s10 =	sld [smem:$0x3FBC]  }
0x39: {  	_ = 	snop;
	(pc) =	sbr.ind lr, $3  }
0x3a: {  	_ = 	snop  }
0x3b: {  	_ = 	snop  }
0x3c: {  	p2 =	seq.s32 s10, $0x1;
	s10 =	sld [smem:$0x3FBB]  }
0x3d: {  	_ =	shalt  }
0x3e: {  	_ =	shalt  }
0x3f: {  	_ =	shalt  }
0x40: {  	_ =	shalt  }
0x41: {  	_ =	shalt  }
0x42: {  	_ =	shalt  }
0x43: {  	_ =	shalt  }
0x44: {  	_ =	shalt  }
0x45: {  	_ =	shalt  }
0x46: {  	_ =	shalt  }
0x47: {  	_ =	shalt  }
0x48: {  	_ =	shalt  }
0x49: {  	_ =	shalt  }
0x4a: {  	_ =	shalt  }
0x4b: {  	_ =	shalt  }
0x4c: {  	_ =	shalt  }
0x4d: {  	_ =	shalt  }
0x4e: {  	_ =	shalt  }
0x4f: {  	_ =	shalt  }
0x50: {  	_ =	shalt  }
0x51: {  	_ =	shalt  }
0x52: {  	_ =	shalt  }
0x53: {  	_ =	shalt  }
0x54: {  	_ =	shalt  }
0x55: {  	_ =	shalt  }
0x56: {  	_ =	shalt  }
0x57: {  	_ =	shalt  }
0x58: {  	_ =	shalt  }
0x59: {  	_ =	shalt  }
0x5a: {  	_ =	shalt  }
0x5b: {  	_ =	shalt  }
0x5c: {  	_ =	shalt  }
0x5d: {  	_ =	shalt  }
0x5e: {  	_ =	shalt  }
0x5f: {  	_ =	shalt  }
0x60: {  	_ =	shalt  }
0x61: {  	_ =	shalt  }
0x62: {  	_ =	shalt  }
0x63: {  	_ =	shalt  }
0x64: {  	_ =	shalt  }
0x65: {  	_ =	shalt  }
0x66: {  	_ =	shalt  }
0x67: {  	_ =	shalt  }
0x68: {  	_ =	shalt  }
0x69: {  	_ =	shalt  }
0x6a: {  	_ =	shalt  }
0x6b: {  	_ =	shalt  }
0x6c: {  	_ =	shalt  }
0x6d: {  	_ =	shalt  }
0x6e: {  	_ =	shalt  }
0x6f: {  	_ =	shalt  }
0x70: {  	_ =	shalt  }
0x71: {  	_ =	shalt  }
0x72: {  	_ =	shalt  }
0x73: {  	_ =	shalt  }
0x74: {  	_ =	shalt  }
0x75: {  	_ =	shalt  }
0x76: {  	_ =	shalt  }
0x77: {  	_ =	shalt  }
0x78: {  	_ =	shalt  }
0x79: {  	_ =	shalt  }
0x7a: {  	_ =	shalt  }
0x7b: {  	_ =	shalt  }
0x7c: {  	_ =	shalt  }
0x7d: {  	_ =	shalt  }
0x7e: {  	_ =	shalt  }
0x7f: {  	_ =	shalt  }
0x80: {  	_ =	shalt  }
0x81: {  	_ =	shalt  }
0x82: {  	_ =	shalt  }
0x83: {  	_ =	shalt  }
0x84: {  	_ =	shalt  }
0x85: {  	_ =	shalt  }
0x86: {  	_ =	shalt  }
0x87: {  	_ =	shalt  }
.Lfunc_end0:
.L_simem_size_0:
called_computation_lowered:
.L_overlay_start_0:
0x88: {  	s2 =	sld [smem:$0x3FD9]  }
0x89: {  	s3 =	sld [smem:$0x3FFE];
	_ =	sdelay $0x1  }
0x8a: {  	s1 =	srdreg.scid  }
0x8b: {  	s0 =	sand.u32 $0x1, s1  }
0x8c: {  	s15 =	sshll.u32 s0, $0xA;
	s2 =	sadd.s32 s3, s2  }
0x8d: {  	s2 =	sadd.s32 s2, s15  }
0x8e: {  	[smem:$0x3FC7] =	sst s2  }
0x8f: {  	_ = 	snop  }
0x90: {  	s2 =	sld [smem:$0x3FD0];
	_ =	sdelay $0x2  }
0x91: {  	s16 =	simm.s32 $0xA;
	s4 =	simm.s32 $0x10  }
0x92: {  	[smem:s4], [sflag:s16] =	dma.local [hbm:s2], $0x1  }
0x93: {  	_ =	swait.eq [sflag:s16], $0x1  }
0x94: {  	[sflag:s16] =	ssyncset.done $0x0  }
0x95: {  	[sflag:s16] =	ssyncadd.s32 $0xFFFFFFFF  }
0x96: {  	s17 =	sld [smem:$0x11];
	(tm) =	ssettm $0x1  }
0x97: {  	s18 =	sld [smem:$0x3FFB];
	_ =	sdelay $0x3  }
0x98: {  	_ =	strace s18  }
0x99: {  	s3 =	sld [smem:$0x3FFC];
	_ =	sdelay $0x3  }
0x9a: {  	_ =	strace s3  }
0x9b: {  	s3 =	sld [smem:$0x3FFD];
	_ =	sdelay $0x3  }
0x9c: {  	_ =	strace s3  }
0x9d: {  	_ =	strace $0x8FFFFFFF  }
0x9e: {  	s19 =	sld [smem:$0x3FDB];
	_ =	sdelay $0x1  }
0x9f: {  	s20 =	simm.s32 $_scs_section_size  }
0xa0: {  	s5 =	simm.s32 $_size__tile_overlayer_lowered;
	s6 =	simm.s32 $_tile_overlayer_lowered  }
0xa1: {  	s23 =	simm.s32 $0x1BFF;
	s22 =	sshll.u32 s6, $0x1;
	s3 =	sadd.s32 s20, s19  }
0xa2: {  	s7 =	simm.s32 $0x0;
	s21 =	sshll.u32 s5, $0x1;
	s5 =	sadd.s32 s22, s3  }
0xa3: {  	[timem:s7], [sflag:s23] =	dma.local [hbm:s5], s21  }
0xa4: {  	_ =	swait.ge [sflag:s23], s21  }
0xa5: {  	s4 =	ssub.s32 $0x0, s21;
	[sflag:s23] =	ssyncset.done $0x0  }
0xa6: {  	[sflag:s23] =	ssyncadd.s32 s4;
	_ =	sdelay $0x1  }
0xa7: {  	s24 =	simm.s32 $0x1B8B  }
0xa8: {  	_ =	swait.ge [sflag:s24], $0x1  }
0xa9: {  	[sflag:s24] =	ssyncset.done $0x0  }
0xaa: {  	s25 =	simm.s32 $0x1B8E;
	[sflag:s24] =	ssyncadd.s32 $0xFFFFFFFF  }
0xab: {  	s26 =	simm.s32 $execute0_lowered;
	[smem:$0x3FD2] =	sst s25  }
0xac: {  	s4 =	sshll.u32 s26, $0x1;
	_ =	strace $0x80000046;
	[dreg:$0x1] =	wrdreg $0xFFFFFFFF  }
0xad: {  	s28 =	simm.s32 $_size_execute0_lowered;
	s3 =	sadd.s32 s3, s4;
	[dreg:$0x0] =	wrdreg $0x0  }
0xae: {  	s4 =	sshll.u32 s28, $0x1;
	[dreg:$0x2] =	wrdreg s3  }
0xaf: {  	[dreg:$0x3] =	wrdreg s4  }
0xb0: {  	[dreg:$0x4] =	wrdreg $0xC0  }
0xb1: {  	_ =	task [dreg:s7], $0x5FFFF  }
0xb2: {  	[dreg:$0x1] =	wrdreg $0xFFFFFFFF  }
0xb3: {  	[dreg:$0x0] =	wrdreg $0x60  }
0xb4: {  	[dreg:$0x2] =	wrdreg s17  }
0xb5: {  	[dreg:$0x3] =	wrdreg $0x9  }
0xb6: {  	_ =	task.clear_ibuf [dreg:s7], $0x4FFFF;
	_ =	strace $0x90000046  }
0xb7: {  	s29 =	simm.s32 $0x9;
	_ =	strace $0x80000048  }
0xb8: {  	_ =	swait.ge [sflag:s29], $0x1  }
0xb9: {  	[sflag:s29] =	ssyncadd.s32 $0xFFFFFFFF  }
0xba: {  	_ =	strace $0x90000048  }
0xbb: {  	_ =	sfence  }
0xbc: {  	s30 =	sld [smem:$0x0];
	_ =	sdelay $0x2  }
0xbd: {  	s31 =	sshll.u32 s1, $0xD;
	s1 =	sshrl.u32 s1, $0x2  }
0xbe: {  	s3 =	sand.u32 $0x4000, s31;
	s1 =	sadd.s32 s1, s30  }
0xbf: {  	s0 =	sor.u32 s3, s0;
	s1 =	sshll.u32 s1, $0x11  }
0xc0: {  	s0 =	sor.u32 s1, s0  }
0xc1: {  	s0 =	sadd.s32 $0x8F2B, s0  }
0xc2: {  	[sflag:s0] =	ssyncadd.remote.s32 $0x1  }
0xc3: {  	_ =	sfence.sel $0xFFFF  }
0xc4: {  	[dreg:$0x0] =	wrdreg $0xFFFFFFFF;
	(pc) =	sbr.abs _section_cstart, $3  }
0xc5: {  	[dreg:$0x1] =	wrdreg $0xFFFFFFFF  }
0xc6: {  	_ =	task.clear_ibuf [dreg:s7], $0x2FFFF;
	_ =	strace $0x9FFFFFFF  }
0xc7: {  	(tm) =	ssettm $0x7FFFFFFF  }
tec
execute0_lowered:
.L_overlay_start_1:
0x0: {  	(tag) =	ssettag $0x1  }
0x1: {  	s1 =	srdreg.scid;
	s0 =	stileid.u32  }
0x2: {  	s3 =	sand.u32 $0x1, s1;
	s29 =	sshll.u32 s0, $0x1  }
0x3: {  	s1 =	sor.u32 s3, s29  }
0x4: {  	s4 =	rddreg [dreg:$0x0];
	s2 =	simm.s32 $0x0;
	s5 =	smul.u32 $0xC350, s1  }
0x5: {  	s9 =	simm.s32 $0x1;
	s10 =	simm.s32 $0x0;
	s6 =	ssub.s32 $0x2, s3  }
0x6: {  	[smem:$0x7FF] =	sst s2;
	s31 =	sshrl.u32 s6, $0x1;
	s30 =	sshrl.u32 s5, $0x3  }
0x7: {  	s1 =	rddreg [dreg:$0x1];
	s8 =	ssub.s32 s6, s31;
	s3 =	sadd.s32 s4, s30  }
0x8: {  	_ =	strace $0x80000047;
	s8 =	smax.u32 s8, $0x1;
	s4 =	sadd.s32 $0x4E2, s3  }
0x9: {  	v0 =	vimm.s32 $0x1;
	s5 =	sadd.s32 $0x9C4, s3;
	s6 =	sadd.s32 $0xEA6, s3;
	s7 =	sadd.s32 $0x1388, s3  }
.LBB2_1:
0xa: {  	s11 =	simm.s32 $0x40;
	s12 =	simm.s32 $0x0  }
.LBB2_2:
0xb: {  	p0 =	sne.s32 s11, $0x9C00;
	[tilespmem:s12+$0x0] =	vst v0;
	s12 =	smov.u32 s11;
	s11 =	sadd.s32 $0x40, s11  }
.Ltmp0:
0xc: {  	(pc) =	sbr.rel @p0 .LBB2_2-.Ltmp0, $2  }
0xd: {  	_ =	sdelay $0x2  }
0xe: {  	s12 =	sshra.s32 s12, $0x2  }
0xf: {  	[tilespmem:s12+$0x0] =	vst v0  }
0x10: {  	[hbm4b:s3+s2] =	stream.linear.scatter [tilespmem:s2], [sflag:$0x1], $0x2710, $0x38;
	[tilespmem:$0x2780] =	vst v63  }
0x11: {  	_ = 	snop  }
0x12: {  	[hbm4b:s4+s2] =	stream.linear.scatter [tilespmem:s2], [sflag:$0x1], $0x2710, $0x38;
	[tilespmem:$0x2780] =	vst v63  }
0x13: {  	_ = 	snop  }
0x14: {  	[hbm4b:s5+s2] =	stream.linear.scatter [tilespmem:s2], [sflag:$0x1], $0x2710, $0x38;
	[tilespmem:$0x2780] =	vst v63  }
0x15: {  	_ = 	snop  }
0x16: {  	[hbm4b:s6+s2] =	stream.linear.scatter [tilespmem:s2], [sflag:$0x1], $0x2710, $0x38;
	[tilespmem:$0x2780] =	vst v63  }
0x17: {  	_ = 	snop  }
0x18: {  	[hbm4b:s7+s2] =	stream.linear.scatter [tilespmem:s2], [sflag:$0x1], $0x2710, $0x38;
	[tilespmem:$0x2780] =	vst v63  }
0x19: {  	_ =	swait.ge [sflag:s9], $0x2710  }
0x1a: {  	[sflag:s9] =	ssyncset.done $0x0  }
0x1b: {  	[sflag:s9] =	ssyncadd.s32 $0xFFFFD8F0  }
0x1c: {  	_ =	swait.ge [sflag:s9], $0x2710  }
0x1d: {  	[sflag:s9] =	ssyncset.done $0x0  }
0x1e: {  	[sflag:s9] =	ssyncadd.s32 $0xFFFFD8F0  }
0x1f: {  	_ =	swait.ge [sflag:s9], $0x2710  }
0x20: {  	[sflag:s9] =	ssyncset.done $0x0  }
0x21: {  	s10 =	sadd.s32 $0x1, s10;
	[sflag:s9] =	ssyncadd.s32 $0xFFFFD8F0  }
0x22: {  	p0 =	sne.s32 s10, s8;
	_ =	swait.ge [sflag:s9], $0x2710  }
.Ltmp1:
0x23: {  	[sflag:s9] =	ssyncset.done $0x0;
	(pc) =	sbr.rel @p0 .LBB2_1-.Ltmp1, $4  }
0x24: {  	[sflag:s9] =	ssyncadd.s32 $0xFFFFD8F0  }
0x25: {  	_ =	swait.ge [sflag:s9], $0x2710  }
0x26: {  	[sflag:s9] =	ssyncset.done $0x0  }
0x27: {  	[sflag:s9] =	ssyncadd.s32 $0xFFFFD8F0  }
0x28: {  	_ =	sfence.sel $0x180000  }
0x29: {  	[bflag:$0x0] =	sbarrier.arrive $0xFFFF  }
0x2a: {  	p0 =	sne.s32 s0, $0x0;
	_ =	strace $0x90000047  }
0x2b: {  	s0 =	sadd.s32 @!p0 $0x100000, s1;
	[bflag:$0x2] =	sbarrier.arrive $0xFFFF  }
0x2c: {  	[sflag:s0] =	ssyncadd.tile.s32 @!p0 $0x1;
	_ =	shalt  }
.Lfunc_end2:
_tile_overlayer_lowered:
.L_overlay_start_2:
0x2d: {  	(tag) =	ssettag $0x2  }
0x2e: {  	s0 =	rddreg [dreg:$0x0];
	s2 =	stileid.u32  }
0x2f: {  	s1 =	rddreg [dreg:$0x1];
	p0 =	sne.s32 s2, $0x0  }
0x30: {  	s3 =	rddreg [dreg:$0x2];
	[bflag:$0x3] =	sbarrier.arrive $0xFFFF;
	s2 =	simm.s32 @!p0 $0x1C02  }
0x31: {  	[timem:s3], [sflag:s2] =	dma.local @!p0 [hbm:s0], s1  }
0x32: {  	s0 =	simm.s32 @!p0 $0x2  }
0x33: {  	_ =	swait.ge @!p0 [sflag:s0], s1  }
0x34: {  	s1 =	ssub.s32 @!p0 $0x0, s1;
	[sflag:s0] =	ssyncset.done @!p0 $0x0  }
0x35: {  	[sflag:s0] =	ssyncadd.s32 @!p0 s1  }
0x36: {  	[bflag:$0x3] =	sbarrier.arrive $0xFFFF  }
0x37: {  	_ =	shalt  }

</sc_bundles>
